<compile_context>
chip_gen: v7x
topology: tpu7x:2x2x1
jax: 0.10.2.dev20260603
libtpu: 0.0.44.dev20260713+nightly
codegen_flags: <defaults>
</compile_context>

<pallas_src>
import functools

import jax
import jax.numpy as jnp
from jax import lax
from jax.experimental import pallas as pl
from jax.experimental.pallas import tpu as pltpu
from jax.experimental.pallas import tpu_sc as plsc

NC = 2
NS = 16
NWK = NC * NS
LN = 16


@functools.partial(jax.jit, static_argnums=(2, 3, 4))
def _deg_pass(dst, etype, N, R, E):
    RN = R * N
    rpt = (-(-RN // NS) + 127) & ~127
    RNP = NS * rpt
    ept = E // NWK
    K = 512
    chunks = ept // K
    mesh = plsc.VectorSubcoreMesh(core_axis_name="c", subcore_axis_name="s")

    @functools.partial(
        pl.kernel,
        out_type=jax.ShapeDtypeStruct((NC, RNP), jnp.float32),
        mesh=mesh,
        scratch_types=[
            pltpu.VMEM_SHARED((RNP,), jnp.float32),
            pltpu.VMEM((K,), jnp.int32),
            pltpu.VMEM((K,), jnp.int32),
            pltpu.VMEM((K,), jnp.int32),
            pltpu.VMEM((K,), jnp.float32),
        ],
    )
    def body(dst_hbm, et_hbm, degp_hbm, acc, dbuf, tbuf, fbuf, ob):
        c = lax.axis_index("c")
        s = lax.axis_index("s")
        wid = c * NS + s

        zf = jnp.zeros((LN,), jnp.float32)
        onef = jnp.ones((LN,), jnp.float32)

        def zrow(i, carry):
            ob[pl.ds(i * LN, LN)] = zf
            return carry

        lax.fori_loop(0, K // LN, zrow, 0)

        for j in range(rpt // K):
            pltpu.sync_copy(ob, acc.at[pl.ds(s * rpt + j * K, K)])
        if rpt % K:
            pltpu.sync_copy(ob.at[pl.ds(0, rpt % K)],
                            acc.at[pl.ds(s * rpt + (rpt // K) * K, rpt % K)])
        plsc.subcore_barrier()

        def orow(i, carry):
            ob[pl.ds(i * LN, LN)] = onef
            return carry

        lax.fori_loop(0, K // LN, orow, 0)

        def chunk(ci, carry):
            base = wid * ept + ci * K
            pltpu.sync_copy(dst_hbm.at[pl.ds(base, K)], dbuf)
            pltpu.sync_copy(et_hbm.at[pl.ds(base, K)], tbuf)

            def vec(v, cc):
                sl = pl.ds(v * LN, LN)
                fbuf[sl] = tbuf[sl] * N + dbuf[sl]
                return cc

            lax.fori_loop(0, K // LN, vec, 0)
            pltpu.sync_copy(ob, acc.at[fbuf], add=True)
            return carry

        lax.fori_loop(0, chunks, chunk, 0)
        plsc.subcore_barrier()
        pltpu.sync_copy(acc.at[pl.ds(s * rpt, rpt)],
                        degp_hbm.at[c, pl.ds(s * rpt, rpt)])

    return body(dst, etype).reshape(NC * RNP)


@functools.partial(jax.jit, static_argnums=(5, 6, 7, 8, 9))
def _weight_pass(degf, dst, etype, c1f, c2f, N, R, NB, E, RNP):
    ept = E // NWK
    KW = 2048
    chunks = ept // KW
    mesh = plsc.VectorSubcoreMesh(core_axis_name="c", subcore_axis_name="s")

    @functools.partial(
        pl.kernel,
        out_type=tuple(jax.ShapeDtypeStruct((E,), jnp.float32)
                       for _ in range(1 + 2 * NB)),
        mesh=mesh,
        scratch_types=[
            pltpu.VMEM((KW,), jnp.int32),
            pltpu.VMEM((KW,), jnp.int32),
            pltpu.VMEM((KW,), jnp.int32),
            pltpu.VMEM((KW,), jnp.int32),
            pltpu.VMEM((KW,), jnp.float32),
            pltpu.VMEM((KW,), jnp.float32),
            pltpu.VMEM((KW,), jnp.float32),
            pltpu.VMEM((KW,), jnp.float32),
            pltpu.VMEM((KW,), jnp.float32),
            pltpu.VMEM((KW,), jnp.float32),
            pltpu.VMEM((KW,), jnp.float32),
            pltpu.VMEM((R * NB + LN,), jnp.float32),
            pltpu.VMEM((R * NB + LN,), jnp.float32),
            pltpu.SemaphoreType.DMA,
        ],
    )
    def body(degf_hbm, dst_hbm, et_hbm, c1_hbm, c2_hbm,
             w0_hbm, w10_hbm, w11_hbm, w20_hbm, w21_hbm,
             dbuf, tbuf, f0buf, f1buf, d0buf, d1buf,
             o0, o10, o11, o20, o21, c1v, c2v, sem):
        c = lax.axis_index("c")
        s = lax.axis_index("s")
        wid = c * NS + s

        one = jnp.ones((LN,), jnp.float32)
        zero = jnp.zeros((LN,), jnp.float32)

        pltpu.sync_copy(c1_hbm, c1v.at[pl.ds(0, R * NB)])
        pltpu.sync_copy(c2_hbm, c2v.at[pl.ds(0, R * NB)])
        cb1 = [[jnp.full((LN,), c1v[pl.ds(r * NB + b, LN)][0], jnp.float32)
                for b in range(NB)] for r in range(R)]
        cb2 = [[jnp.full((LN,), c2v[pl.ds(r * NB + b, LN)][0], jnp.float32)
                for b in range(NB)] for r in range(R)]

        def sel(tt, tab, b):
            v = tab[R - 1][b]
            for r in range(R - 2, -1, -1):
                v = jnp.where(tt == r, tab[r][b], v)
            return v

        def chunk(ci, carry):
            base = wid * ept + ci * KW
            pltpu.sync_copy(dst_hbm.at[pl.ds(base, KW)], dbuf)
            pltpu.sync_copy(et_hbm.at[pl.ds(base, KW)], tbuf)

            def fvec(v, cc):
                sl = pl.ds(v * LN, LN)
                f = tbuf[sl] * N + dbuf[sl]
                f0buf[sl] = f
                f1buf[sl] = f + RNP
                return cc

            lax.fori_loop(0, KW // LN, fvec, 0)
            pltpu.async_copy(degf_hbm.at[f0buf], d0buf, sem).wait()
            pltpu.async_copy(degf_hbm.at[f1buf], d1buf, sem).wait()

            def vec(v, cc):
                sl = pl.ds(v * LN, LN)
                d = d0buf[sl] + d1buf[sl]
                r = one / jnp.maximum(d, one)
                nw = jnp.where(d > zero, r, zero)
                tt = tbuf[sl]
                nw = jnp.where(tt < R, nw, zero)
                o0[sl] = nw
                o10[sl] = nw * sel(tt, cb1, 0)
                o11[sl] = nw * sel(tt, cb1, 1)
                o20[sl] = nw * sel(tt, cb2, 0)
                o21[sl] = nw * sel(tt, cb2, 1)
                return cc

            lax.fori_loop(0, KW // LN, vec, 0)
            esl = pl.ds(base, KW)
            pltpu.sync_copy(o0, w0_hbm.at[esl])
            pltpu.sync_copy(o10, w10_hbm.at[esl])
            pltpu.sync_copy(o11, w11_hbm.at[esl])
            pltpu.sync_copy(o20, w20_hbm.at[esl])
            pltpu.sync_copy(o21, w21_hbm.at[esl])
            return carry

        lax.fori_loop(0, chunks, chunk, 0)

    return body(degf, dst, etype, c1f, c2f)


@functools.partial(jax.jit, static_argnums=(5, 6, 7, 8, 9, 10, 11))
def _layer_pass(x, src, dst, wA, wB, N, E, Din, Dout, Eff, NBW, K):
    ept = E // NWK
    chunks = ept // K
    rpt = (N // NS) & ~7
    tail = N - NS * rpt
    gE = Eff // LN
    mesh = plsc.VectorSubcoreMesh(core_axis_name="c", subcore_axis_name="s")

    scratch = [
        pltpu.VMEM_SHARED((N, Dout), jnp.float32),
        pltpu.VMEM((K,), jnp.int32),
        pltpu.VMEM((K,), jnp.int32),
        pltpu.VMEM((K + LN,), jnp.float32),
        pltpu.VMEM((K + LN,), jnp.float32),
        pltpu.VMEM((K, Din), jnp.float32),
    ]
    scratch.append(pltpu.SemaphoreType.DMA)

    @functools.partial(
        pl.kernel,
        out_type=jax.ShapeDtypeStruct((NC, N, Dout), jnp.float32),
        mesh=mesh,
        scratch_types=scratch,
    )
    def body(x_hbm, src_hbm, dst_hbm, wA_hbm, wB_hbm, out_hbm, *scr):
        acc, sbuf, dbuf, wb0, wb1, rows, sem = scr
        c = lax.axis_index("c")
        s = lax.axis_index("s")
        wid = c * NS + s

        zf = jnp.zeros((LN,), jnp.float32)

        def zrow(i, carry):
            for j in range(Dout // LN):
                rows[i, pl.ds(j * LN, LN)] = zf
            return carry

        lax.fori_loop(0, K, zrow, 0)

        nfull, rem = rpt // K, rpt % K
        for j in range(nfull):
            pltpu.sync_copy(rows.at[pl.ds(0, K), pl.ds(0, Dout)],
                            acc.at[pl.ds(s * rpt + j * K, K)])
        if rem:
            pltpu.sync_copy(rows.at[pl.ds(0, rem), pl.ds(0, Dout)],
                            acc.at[pl.ds(s * rpt + nfull * K, rem)])
        if tail:
            @pl.when(s == 0)
            def _():
                pltpu.sync_copy(rows.at[pl.ds(0, tail), pl.ds(0, Dout)],
                                acc.at[pl.ds(NS * rpt, tail)])
        plsc.subcore_barrier()

        def chunk(ci, carry):
            base = wid * ept + ci * K
            pltpu.sync_copy(src_hbm.at[pl.ds(base, K)], sbuf)
            pltpu.sync_copy(dst_hbm.at[pl.ds(base, K)], dbuf)
            pltpu.sync_copy(wA_hbm.at[pl.ds(base, K)], wb0.at[pl.ds(0, K)])
            if NBW == 2:
                pltpu.sync_copy(wB_hbm.at[pl.ds(base, K)], wb1.at[pl.ds(0, K)])
            pltpu.async_copy(x_hbm.at[sbuf], rows, sem).wait()

            def rowfn(k, cc):
                w0v = jnp.full((LN,), wb0[pl.ds(k, LN)][0], jnp.float32)
                if NBW == 2:
                    w1v = jnp.full((LN,), wb1[pl.ds(k, LN)][0], jnp.float32)
                    for j in range(gE):
                        a = rows[k, pl.ds(j * LN, LN)]
                        b = rows[k, pl.ds(Eff + j * LN, LN)]
                        rows[k, pl.ds(j * LN, LN)] = a * w0v + b * w1v
                    for j in range(gE, 2 * gE):
                        rows[k, pl.ds(j * LN, LN)] = zf
                else:
                    for j in range(gE):
                        sl = pl.ds(j * LN, LN)
                        rows[k, sl] = rows[k, sl] * w0v
                return cc

            lax.fori_loop(0, K, rowfn, 0)
            pltpu.sync_copy(rows, acc.at[dbuf], add=True)
            return carry

        lax.fori_loop(0, chunks, chunk, 0)
        plsc.subcore_barrier()
        pltpu.sync_copy(acc.at[pl.ds(s * rpt, rpt)],
                        out_hbm.at[c, pl.ds(s * rpt, rpt)])
        if tail:
            @pl.when(s == 0)
            def _():
                pltpu.sync_copy(acc.at[pl.ds(NS * rpt, tail)],
                                out_hbm.at[c, pl.ds(NS * rpt, tail)])

    return body(x, src, dst, wA, wB)


def _tc_relu_mm(p, bcat):
    _, N, H = p.shape
    DO = bcat.shape[1]
    BR = 1000
    grid = (N // BR,)

    NP = p.shape[0]

    def body(p_ref, b_ref, y_ref):
        h = jnp.maximum(jnp.sum(p_ref[...], axis=0), 0.0)
        y_ref[...] = jnp.dot(h, b_ref[...], preferred_element_type=jnp.float32)

    return pl.pallas_call(
        body,
        grid=grid,
        in_specs=[
            pl.BlockSpec((NP, BR, H), lambda i: (0, i, 0)),
            pl.BlockSpec((H, DO), lambda i: (0, 0)),
        ],
        out_specs=pl.BlockSpec((BR, DO), lambda i: (i, 0)),
        out_shape=jax.ShapeDtypeStruct((N, DO), jnp.float32),
    )(p, bcat)


def _tc_relu_mm2(p, bcat):
    NP, N, H = p.shape
    DO = bcat.shape[1]
    HB = DO // 2
    BR = 1000
    grid = (N // BR,)

    def body(p_ref, b_ref, y_ref):
        h = jnp.maximum(jnp.sum(p_ref[...], axis=0), 0.0)
        y_ref[0] = jnp.dot(h, b_ref[:, :HB], preferred_element_type=jnp.float32)
        y_ref[1] = jnp.dot(h, b_ref[:, HB:], preferred_element_type=jnp.float32)

    return pl.pallas_call(
        body,
        grid=grid,
        in_specs=[
            pl.BlockSpec((NP, BR, H), lambda i: (0, i, 0)),
            pl.BlockSpec((H, DO), lambda i: (0, 0)),
        ],
        out_specs=pl.BlockSpec((2, BR, HB), lambda i: (0, i, 0)),
        out_shape=jax.ShapeDtypeStruct((2, N, HB), jnp.float32),
    )(p, bcat)


def _tc_add(p, DO):
    _, N, D = p.shape
    BR = 2000
    grid = (N // BR,)

    def body(p_ref, y_ref):
        y_ref[...] = p_ref[0, :, :DO] + p_ref[1, :, :DO]

    return pl.pallas_call(
        body,
        grid=grid,
        in_specs=[pl.BlockSpec((NC, BR, D), lambda i: (0, i, 0))],
        out_specs=pl.BlockSpec((BR, DO), lambda i: (i, 0)),
        out_shape=jax.ShapeDtypeStruct((N, DO), jnp.float32),
    )(p)


def kernel(embed, basis1, coeff1, basis2, coeff2, edge_index, edge_type):
    N, H = embed.shape
    NB = basis1.shape[0]
    OUT = basis2.shape[2]
    R = coeff1.shape[0]
    E = edge_type.shape[0]

    eptp = -(-E // NWK)
    eptp = -(-eptp // 320) * 320
    EP = NWK * eptp
    pad = EP - E
    rpt_d0 = (-(-(R * N) // NS) + 127) & ~127
    span = NS * rpt_d0 - R * N
    spread = (jnp.arange(pad, dtype=jnp.int32) * 37) % span
    src = jnp.concatenate([edge_index[0], spread])
    dst = jnp.concatenate([edge_index[1], spread])
    etp = jnp.concatenate([edge_type, jnp.full((pad,), R, jnp.int32)])

    rpt_d = (-(-(R * N) // NS) + 127) & ~127
    RNP = NS * rpt_d
    degf = _deg_pass(dst, etp, N, R, EP)
    w0, w10, w11, w20, w21 = _weight_pass(degf, dst, etp,
                                          coeff1.reshape(-1),
                                          coeff2.reshape(-1), N, R, NB, EP, RNP)

    p0 = _layer_pass(embed, src, dst, w0, w0, N, EP, H, H, H, 1, 320)
    bcat1 = basis1.transpose(1, 0, 2).reshape(H, NB * H)
    y1 = _tc_relu_mm2(p0, bcat1)
    p1a = _layer_pass(y1[0], src, dst, w10, w10, N, EP, H, H, H, 1, 320)
    p1b = _layer_pass(y1[1], src, dst, w11, w11, N, EP, H, H, H, 1, 320)
    p1 = jnp.concatenate([p1a, p1b], axis=0)
    bcat2 = basis2.transpose(1, 0, 2).reshape(H, NB * OUT)
    bcat2p = jnp.concatenate(
        [bcat2, jnp.zeros((H, H - NB * OUT), jnp.float32)], axis=1)
    y2 = _tc_relu_mm(p1, bcat2p)
    p2 = _layer_pass(y2, src, dst, w20, w21, N, EP, H, H, OUT, 2, 320)

    return _tc_add(p2, OUT)

# --- scband reference (transcript-rebuilt; emitter-appended) ---
"""Pipeline reference for scband-entity-classify-hetero-api-91259465105420 (READ-ONLY COPY).

The authoritative reference and input builder live on the scoring server;
editing this copy changes nothing except your own understanding.
"""

import jax, jax.numpy as jnp
import numpy as np

N = 10000
E = 320000
R = 4
H = 128
OUT = 16
NB = 2


def setup_inputs(seed: int = 0) -> dict:
    key = jax.random.key(seed)
    ks = jax.random.split(key, 8)
    edge_index = jax.random.randint(ks[0], (2, E), 0, N, dtype=jnp.int32)
    edge_type = jax.random.randint(ks[1], (E,), 0, R, dtype=jnp.int32)
    # learned node embeddings (RelGraphEmbed, xavier-uniform scale)
    lim_e = float(np.sqrt(6.0 / (N + H)) * np.sqrt(2.0))
    embed = jax.random.uniform(ks[2], (N, H), minval=-lim_e, maxval=lim_e, dtype=jnp.float32)
    # basis-decomposed relation weights for hidden layer (h_dim -> h_dim)
    lim1 = float(np.sqrt(6.0 / (H + H)))
    basis1 = jax.random.uniform(ks[3], (NB, H, H), minval=-lim1, maxval=lim1, dtype=jnp.float32)
    coeff1 = jax.random.normal(ks[4], (R, NB), dtype=jnp.float32) * 0.5
    # basis-decomposed relation weights for output layer (h_dim -> out_dim)
    lim2 = float(np.sqrt(6.0 / (H + OUT)))
    basis2 = jax.random.uniform(ks[5], (NB, H, OUT), minval=-lim2, maxval=lim2, dtype=jnp.float32)
    coeff2 = jax.random.normal(ks[6], (R, NB), dtype=jnp.float32) * 0.5
    return {
        "embed": embed,
        "basis1": basis1,
        "coeff1": coeff1,
        "basis2": basis2,
        "coeff2": coeff2,
        "edge_index": edge_index,
        "edge_type": edge_type,
    }


def _rel_conv(x, src, dst, etype, W):
    # HeteroGraphConv(aggregate='sum') over per-relation GraphConv(norm='right').
    n = x.shape[0]
    out = None
    for r in range(R):
        mask = (etype == r).astype(x.dtype)
        deg = jax.ops.segment_sum(mask, dst, num_segments=n)
        norm = jnp.where(deg > 0, 1.0 / jnp.maximum(deg, 1.0), 0.0)
        agg = jax.ops.segment_sum(x[src] * mask[:, None], dst, num_segments=n)
        agg = agg * norm[:, None]
        if W is not None:
            agg = agg @ W[r]
        out = agg if out is None else out + agg
    return out


def reference(embed, basis1, coeff1, basis2, coeff2, edge_index, edge_type):
    src = edge_index[0]
    dst = edge_index[1]
    # layer 0: weight=False (pure relational aggregation), relu, dropout=0 (eval)
    h = jax.nn.relu(_rel_conv(embed, src, dst, edge_type, None))
    # hidden layer: basis-decomposed relation weights, relu
    W1 = jnp.einsum("rb,bio->rio", coeff1, basis1)
    h = jax.nn.relu(_rel_conv(h, src, dst, edge_type, W1))
    # output layer: basis-decomposed, no activation
    W2 = jnp.einsum("rb,bio->rio", coeff2, basis2)
    h = _rel_conv(h, src, dst, edge_type, W2)
    return h

if __name__ == "__main__":
    import jax
    _d = setup_inputs()
    print(jax.jit(kernel)(*tuple(_d.values())))

</pallas_src>

<mosaic_0001>
#map = affine_map<(d0, d1) -> (0)>
#map1 = affine_map<(d0, d1) -> (0, 0)>
module attributes {stable_mosaic.version = 14 : i64} {
  func.func @body(%arg0: i32, %arg1: i32, %arg2: memref<327680xi32, #tpu.memory_space<hbm>>, %arg3: memref<327680xi32, #tpu.memory_space<hbm>>, %arg4: memref<2x40960xf32, #tpu.memory_space<hbm>>, %arg5: memref<40960xf32, #tpu.memory_space<vmem_shared>>, %arg6: memref<512xi32, #tpu.memory_space<vmem>>, %arg7: memref<512xi32, #tpu.memory_space<vmem>>, %arg8: memref<512xi32, #tpu.memory_space<vmem>>, %arg9: memref<512xf32, #tpu.memory_space<vmem>>) attributes {dimension_semantics = [#tpu.dimension_semantics<core_parallel>, #tpu.dimension_semantics<subcore_parallel>], iteration_bounds = array<i64: 2, 16>, scalar_prefetch = 0 : i64, scratch_operands = 5 : i64, tpu.core_type = #tpu.core_type<sc_vector_subcore>, window_params = [{transform_indices = #map}, {transform_indices = #map}, {transform_indices = #map1}]} {
    %mul3A = arith.constant 16 : i32
    %mul3A_0 = arith.muli %arg0, %mul3A : i32
    %add3A = arith.addi %mul3A_0, %arg1 : i32
    %broadcast_in_dim3A = arith.constant 0.000000e+00 : f32
    %broadcast_in_dim3A_1 = vector.broadcast %broadcast_in_dim3A : f32 to vector<16xf32>
    %broadcast_in_dim3A_2 = arith.constant 1.000000e+00 : f32
    %broadcast_in_dim3A_3 = vector.broadcast %broadcast_in_dim3A_2 : f32 to vector<16xf32>
    %scan3A = arith.constant 0 : i32
    %scan3A_4 = arith.constant 0 : i32
    %scan3A_5 = arith.constant 32 : i32
    %scan3A_6 = arith.addi %scan3A_4, %scan3A_5 : i32
    %scan3A_7 = arith.constant 1 : i32
    scf.for %scan3A_46 = %scan3A_4 to %scan3A_6 step %scan3A_7  : i32 {
      %mul3A_47 = arith.constant 16 : i32
      %mul3A_48 = arith.muli %scan3A_46, %mul3A_47 : i32
      %swap3A = arith.index_cast %mul3A_48 : i32 to index
      %swap3A_49 = tpu.vector_load %arg9[%swap3A] {strides = array<i32>} : memref<512xf32, #tpu.memory_space<vmem>>, vector<16xf32>,
      %swap3A_50 = vector.shape_cast %swap3A_49 : vector<16xf32> to vector<16xf32>
      %swap3A_51 = vector.shape_cast %broadcast_in_dim3A_1 : vector<16xf32> to vector<16xf32>
      tpu.vector_store %arg9[%swap3A], %swap3A_51 {strides = array<i32>} : memref<512xf32, #tpu.memory_space<vmem>>, vector<16xf32>,
    }
    %scan3A_8 = arith.constant 32 : i32
    %mul3A_9 = arith.constant 2560 : i32
    %mul3A_10 = arith.muli %arg1, %mul3A_9 : i32
    %add3A_11 = arith.constant 0 : i32
    %add3A_12 = arith.addi %mul3A_10, %add3A_11 : i32
    "tpu.region"() ({
      %run_scoped3A = tpu.sem_alloc : memref<!tpu.dma_semaphore, #tpu.memory_space<semaphore_mem>>
      %dma_start3A = tpu.memref_slice %arg5[%add3A_12] : memref<40960xf32, #tpu.memory_space<vmem_shared>> -> memref<512xf32, #tpu.memory_space<vmem_shared>>
      %dma_start3A_46 = tpu.memref_slice %arg5[%add3A_12] : memref<40960xf32, #tpu.memory_space<vmem_shared>> -> memref<512xf32, #tpu.memory_space<vmem_shared>>
      tpu.enqueue_dma source(%arg9 : memref<512xf32, #tpu.memory_space<vmem>>) target(%dma_start3A_46 : memref<512xf32, #tpu.memory_space<vmem_shared>>) target_semaphore(%run_scoped3A : memref<!tpu.dma_semaphore, #tpu.memory_space<semaphore_mem>>)
      %dma_wait3A = tpu.memref_slice %arg5[%add3A_12] : memref<40960xf32, #tpu.memory_space<vmem_shared>> -> memref<512xf32, #tpu.memory_space<vmem_shared>>
      %dma_wait3A_47 = tpu.memref_slice %arg5[%add3A_12] : memref<40960xf32, #tpu.memory_space<vmem_shared>> -> memref<512xf32, #tpu.memory_space<vmem_shared>>
      tpu.wait_dma2 semaphore(%run_scoped3A : memref<!tpu.dma_semaphore, #tpu.memory_space<semaphore_mem>>) src(%arg9 : memref<512xf32, #tpu.memory_space<vmem>>) dst(%dma_wait3A_47 : memref<512xf32, #tpu.memory_space<vmem_shared>>)
      tpu.yield
    }) : () -> ()
    %mul3A_13 = arith.constant 2560 : i32
    %mul3A_14 = arith.muli %arg1, %mul3A_13 : i32
    %add3A_15 = arith.constant 512 : i32
    %add3A_16 = arith.addi %mul3A_14, %add3A_15 : i32
    "tpu.region"() ({
      %run_scoped3A = tpu.sem_alloc : memref<!tpu.dma_semaphore, #tpu.memory_space<semaphore_mem>>
      %dma_start3A = tpu.memref_slice %arg5[%add3A_16] : memref<40960xf32, #tpu.memory_space<vmem_shared>> -> memref<512xf32, #tpu.memory_space<vmem_shared>>
      %dma_start3A_46 = tpu.memref_slice %arg5[%add3A_16] : memref<40960xf32, #tpu.memory_space<vmem_shared>> -> memref<512xf32, #tpu.memory_space<vmem_shared>>
      tpu.enqueue_dma source(%arg9 : memref<512xf32, #tpu.memory_space<vmem>>) target(%dma_start3A_46 : memref<512xf32, #tpu.memory_space<vmem_shared>>) target_semaphore(%run_scoped3A : memref<!tpu.dma_semaphore, #tpu.memory_space<semaphore_mem>>)
      %dma_wait3A = tpu.memref_slice %arg5[%add3A_16] : memref<40960xf32, #tpu.memory_space<vmem_shared>> -> memref<512xf32, #tpu.memory_space<vmem_shared>>
      %dma_wait3A_47 = tpu.memref_slice %arg5[%add3A_16] : memref<40960xf32, #tpu.memory_space<vmem_shared>> -> memref<512xf32, #tpu.memory_space<vmem_shared>>
      tpu.wait_dma2 semaphore(%run_scoped3A : memref<!tpu.dma_semaphore, #tpu.memory_space<semaphore_mem>>) src(%arg9 : memref<512xf32, #tpu.memory_space<vmem>>) dst(%dma_wait3A_47 : memref<512xf32, #tpu.memory_space<vmem_shared>>)
      tpu.yield
    }) : () -> ()
    %mul3A_17 = arith.constant 2560 : i32
    %mul3A_18 = arith.muli %arg1, %mul3A_17 : i32
    %add3A_19 = arith.constant 1024 : i32
    %add3A_20 = arith.addi %mul3A_18, %add3A_19 : i32
    "tpu.region"() ({
      %run_scoped3A = tpu.sem_alloc : memref<!tpu.dma_semaphore, #tpu.memory_space<semaphore_mem>>
      %dma_start3A = tpu.memref_slice %arg5[%add3A_20] : memref<40960xf32, #tpu.memory_space<vmem_shared>> -> memref<512xf32, #tpu.memory_space<vmem_shared>>
      %dma_start3A_46 = tpu.memref_slice %arg5[%add3A_20] : memref<40960xf32, #tpu.memory_space<vmem_shared>> -> memref<512xf32, #tpu.memory_space<vmem_shared>>
      tpu.enqueue_dma source(%arg9 : memref<512xf32, #tpu.memory_space<vmem>>) target(%dma_start3A_46 : memref<512xf32, #tpu.memory_space<vmem_shared>>) target_semaphore(%run_scoped3A : memref<!tpu.dma_semaphore, #tpu.memory_space<semaphore_mem>>)
      %dma_wait3A = tpu.memref_slice %arg5[%add3A_20] : memref<40960xf32, #tpu.memory_space<vmem_shared>> -> memref<512xf32, #tpu.memory_space<vmem_shared>>
      %dma_wait3A_47 = tpu.memref_slice %arg5[%add3A_20] : memref<40960xf32, #tpu.memory_space<vmem_shared>> -> memref<512xf32, #tpu.memory_space<vmem_shared>>
      tpu.wait_dma2 semaphore(%run_scoped3A : memref<!tpu.dma_semaphore, #tpu.memory_space<semaphore_mem>>) src(%arg9 : memref<512xf32, #tpu.memory_space<vmem>>) dst(%dma_wait3A_47 : memref<512xf32, #tpu.memory_space<vmem_shared>>)
      tpu.yield
    }) : () -> ()
    %mul3A_21 = arith.constant 2560 : i32
    %mul3A_22 = arith.muli %arg1, %mul3A_21 : i32
    %add3A_23 = arith.constant 1536 : i32
    %add3A_24 = arith.addi %mul3A_22, %add3A_23 : i32
    "tpu.region"() ({
      %run_scoped3A = tpu.sem_alloc : memref<!tpu.dma_semaphore, #tpu.memory_space<semaphore_mem>>
      %dma_start3A = tpu.memref_slice %arg5[%add3A_24] : memref<40960xf32, #tpu.memory_space<vmem_shared>> -> memref<512xf32, #tpu.memory_space<vmem_shared>>
      %dma_start3A_46 = tpu.memref_slice %arg5[%add3A_24] : memref<40960xf32, #tpu.memory_space<vmem_shared>> -> memref<512xf32, #tpu.memory_space<vmem_shared>>
      tpu.enqueue_dma source(%arg9 : memref<512xf32, #tpu.memory_space<vmem>>) target(%dma_start3A_46 : memref<512xf32, #tpu.memory_space<vmem_shared>>) target_semaphore(%run_scoped3A : memref<!tpu.dma_semaphore, #tpu.memory_space<semaphore_mem>>)
      %dma_wait3A = tpu.memref_slice %arg5[%add3A_24] : memref<40960xf32, #tpu.memory_space<vmem_shared>> -> memref<512xf32, #tpu.memory_space<vmem_shared>>
      %dma_wait3A_47 = tpu.memref_slice %arg5[%add3A_24] : memref<40960xf32, #tpu.memory_space<vmem_shared>> -> memref<512xf32, #tpu.memory_space<vmem_shared>>
      tpu.wait_dma2 semaphore(%run_scoped3A : memref<!tpu.dma_semaphore, #tpu.memory_space<semaphore_mem>>) src(%arg9 : memref<512xf32, #tpu.memory_space<vmem>>) dst(%dma_wait3A_47 : memref<512xf32, #tpu.memory_space<vmem_shared>>)
      tpu.yield
    }) : () -> ()
    %mul3A_25 = arith.constant 2560 : i32
    %mul3A_26 = arith.muli %arg1, %mul3A_25 : i32
    %add3A_27 = arith.constant 2048 : i32
    %add3A_28 = arith.addi %mul3A_26, %add3A_27 : i32
    "tpu.region"() ({
      %run_scoped3A = tpu.sem_alloc : memref<!tpu.dma_semaphore, #tpu.memory_space<semaphore_mem>>
      %dma_start3A = tpu.memref_slice %arg5[%add3A_28] : memref<40960xf32, #tpu.memory_space<vmem_shared>> -> memref<512xf32, #tpu.memory_space<vmem_shared>>
      %dma_start3A_46 = tpu.memref_slice %arg5[%add3A_28] : memref<40960xf32, #tpu.memory_space<vmem_shared>> -> memref<512xf32, #tpu.memory_space<vmem_shared>>
      tpu.enqueue_dma source(%arg9 : memref<512xf32, #tpu.memory_space<vmem>>) target(%dma_start3A_46 : memref<512xf32, #tpu.memory_space<vmem_shared>>) target_semaphore(%run_scoped3A : memref<!tpu.dma_semaphore, #tpu.memory_space<semaphore_mem>>)
      %dma_wait3A = tpu.memref_slice %arg5[%add3A_28] : memref<40960xf32, #tpu.memory_space<vmem_shared>> -> memref<512xf32, #tpu.memory_space<vmem_shared>>
      %dma_wait3A_47 = tpu.memref_slice %arg5[%add3A_28] : memref<40960xf32, #tpu.memory_space<vmem_shared>> -> memref<512xf32, #tpu.memory_space<vmem_shared>>
      tpu.wait_dma2 semaphore(%run_scoped3A : memref<!tpu.dma_semaphore, #tpu.memory_space<semaphore_mem>>) src(%arg9 : memref<512xf32, #tpu.memory_space<vmem>>) dst(%dma_wait3A_47 : memref<512xf32, #tpu.memory_space<vmem_shared>>)
      tpu.yield
    }) : () -> ()
    %barrier3A = arith.constant 0 : index
    tpu.barrier barrier_id(%barrier3A)
    %scan3A_29 = arith.constant 0 : i32
    %scan3A_30 = arith.constant 0 : i32
    %scan3A_31 = arith.constant 32 : i32
    %scan3A_32 = arith.addi %scan3A_30, %scan3A_31 : i32
    %scan3A_33 = arith.constant 1 : i32
    scf.for %scan3A_46 = %scan3A_30 to %scan3A_32 step %scan3A_33  : i32 {
      %mul3A_47 = arith.constant 16 : i32
      %mul3A_48 = arith.muli %scan3A_46, %mul3A_47 : i32
      %swap3A = arith.index_cast %mul3A_48 : i32 to index
      %swap3A_49 = tpu.vector_load %arg9[%swap3A] {strides = array<i32>} : memref<512xf32, #tpu.memory_space<vmem>>, vector<16xf32>,
      %swap3A_50 = vector.shape_cast %swap3A_49 : vector<16xf32> to vector<16xf32>
      %swap3A_51 = vector.shape_cast %broadcast_in_dim3A_3 : vector<16xf32> to vector<16xf32>
      tpu.vector_store %arg9[%swap3A], %swap3A_51 {strides = array<i32>} : memref<512xf32, #tpu.memory_space<vmem>>, vector<16xf32>,
    }
    %scan3A_34 = arith.constant 32 : i32
    %scan3A_35 = arith.constant 0 : i32
    %scan3A_36 = arith.constant 0 : i32
    %scan3A_37 = arith.constant 20 : i32
    %scan3A_38 = arith.addi %scan3A_36, %scan3A_37 : i32
    %scan3A_39 = arith.constant 1 : i32
    scf.for %scan3A_46 = %scan3A_36 to %scan3A_38 step %scan3A_39  : i32 {
      %mul3A_47 = arith.constant 10240 : i32
      %mul3A_48 = arith.muli %add3A, %mul3A_47 : i32
      %mul3A_49 = arith.constant 512 : i32
      %mul3A_50 = arith.muli %scan3A_46, %mul3A_49 : i32
      %add3A_51 = arith.addi %mul3A_48, %mul3A_50 : i32
      "tpu.region"() ({
        %run_scoped3A = tpu.sem_alloc : memref<!tpu.dma_semaphore, #tpu.memory_space<semaphore_mem>>
        %dma_start3A = tpu.memref_slice %arg2[%add3A_51] : memref<327680xi32, #tpu.memory_space<hbm>> -> memref<512xi32, #tpu.memory_space<hbm>>
        %dma_start3A_58 = tpu.memref_slice %arg2[%add3A_51] : memref<327680xi32, #tpu.memory_space<hbm>> -> memref<512xi32, #tpu.memory_space<hbm>>
        tpu.enqueue_dma source(%dma_start3A_58 : memref<512xi32, #tpu.memory_space<hbm>>) target(%arg6 : memref<512xi32, #tpu.memory_space<vmem>>) target_semaphore(%run_scoped3A : memref<!tpu.dma_semaphore, #tpu.memory_space<semaphore_mem>>)
        %dma_wait3A = tpu.memref_slice %arg2[%add3A_51] : memref<327680xi32, #tpu.memory_space<hbm>> -> memref<512xi32, #tpu.memory_space<hbm>>
        %dma_wait3A_59 = tpu.memref_slice %arg2[%add3A_51] : memref<327680xi32, #tpu.memory_space<hbm>> -> memref<512xi32, #tpu.memory_space<hbm>>
        tpu.wait_dma2 semaphore(%run_scoped3A : memref<!tpu.dma_semaphore, #tpu.memory_space<semaphore_mem>>) src(%dma_wait3A_59 : memref<512xi32, #tpu.memory_space<hbm>>) dst(%arg6 : memref<512xi32, #tpu.memory_space<vmem>>)
        tpu.yield
      }) : () -> ()
      "tpu.region"() ({
        %run_scoped3A = tpu.sem_alloc : memref<!tpu.dma_semaphore, #tpu.memory_space<semaphore_mem>>
        %dma_start3A = tpu.memref_slice %arg3[%add3A_51] : memref<327680xi32, #tpu.memory_space<hbm>> -> memref<512xi32, #tpu.memory_space<hbm>>
        %dma_start3A_58 = tpu.memref_slice %arg3[%add3A_51] : memref<327680xi32, #tpu.memory_space<hbm>> -> memref<512xi32, #tpu.memory_space<hbm>>
        tpu.enqueue_dma source(%dma_start3A_58 : memref<512xi32, #tpu.memory_space<hbm>>) target(%arg7 : memref<512xi32, #tpu.memory_space<vmem>>) target_semaphore(%run_scoped3A : memref<!tpu.dma_semaphore, #tpu.memory_space<semaphore_mem>>)
        %dma_wait3A = tpu.memref_slice %arg3[%add3A_51] : memref<327680xi32, #tpu.memory_space<hbm>> -> memref<512xi32, #tpu.memory_space<hbm>>
        %dma_wait3A_59 = tpu.memref_slice %arg3[%add3A_51] : memref<327680xi32, #tpu.memory_space<hbm>> -> memref<512xi32, #tpu.memory_space<hbm>>
        tpu.wait_dma2 semaphore(%run_scoped3A : memref<!tpu.dma_semaphore, #tpu.memory_space<semaphore_mem>>) src(%dma_wait3A_59 : memref<512xi32, #tpu.memory_space<hbm>>) dst(%arg7 : memref<512xi32, #tpu.memory_space<vmem>>)
        tpu.yield
      }) : () -> ()
      %scan3A_52 = arith.constant 0 : i32
      %scan3A_53 = arith.constant 0 : i32
      %scan3A_54 = arith.constant 32 : i32
      %scan3A_55 = arith.addi %scan3A_53, %scan3A_54 : i32
      %scan3A_56 = arith.constant 1 : i32
      scf.for %scan3A_58 = %scan3A_53 to %scan3A_55 step %scan3A_56  : i32 {
        %mul3A_59 = arith.constant 16 : i32
        %mul3A_60 = arith.muli %scan3A_58, %mul3A_59 : i32
        %get3A = arith.index_cast %mul3A_60 : i32 to index
        %get3A_61 = tpu.vector_load %arg7[%get3A] {strides = array<i32>} : memref<512xi32, #tpu.memory_space<vmem>>, vector<16xi32>,
        %get3A_62 = vector.shape_cast %get3A_61 : vector<16xi32> to vector<16xi32>
        %mul3A_63 = arith.constant 10000 : i32
        %mul3A_64 = vector.broadcast %mul3A_63 : i32 to vector<16xi32>
        %mul3A_65 = arith.muli %get3A_62, %mul3A_64 : vector<16xi32>
        %get3A_66 = arith.index_cast %mul3A_60 : i32 to index
        %get3A_67 = tpu.vector_load %arg6[%get3A_66] {strides = array<i32>} : memref<512xi32, #tpu.memory_space<vmem>>, vector<16xi32>,
        %get3A_68 = vector.shape_cast %get3A_67 : vector<16xi32> to vector<16xi32>
        %add3A_69 = arith.addi %mul3A_65, %get3A_68 : vector<16xi32>
        %swap3A = arith.index_cast %mul3A_60 : i32 to index
        %swap3A_70 = tpu.vector_load %arg8[%swap3A] {strides = array<i32>} : memref<512xi32, #tpu.memory_space<vmem>>, vector<16xi32>,
        %swap3A_71 = vector.shape_cast %swap3A_70 : vector<16xi32> to vector<16xi32>
        %swap3A_72 = vector.shape_cast %add3A_69 : vector<16xi32> to vector<16xi32>
        tpu.vector_store %arg8[%swap3A], %swap3A_72 {strides = array<i32>} : memref<512xi32, #tpu.memory_space<vmem>>, vector<16xi32>,
      }
      %scan3A_57 = arith.constant 32 : i32
      "tpu.region"() ({
        %run_scoped3A = tpu.sem_alloc : memref<!tpu.dma_semaphore, #tpu.memory_space<semaphore_mem>>
        %dma_start3A = arith.constant 0 : i32
        %dma_start3A_58 = tpu.memref_slice %arg5[%dma_start3A] : memref<40960xf32, #tpu.memory_space<vmem_shared>> -> memref<40960xf32, #tpu.memory_space<vmem_shared>>
        tpu.enqueue_indirect_dma source(%arg9 : memref<512xf32, #tpu.memory_space<vmem>>) target(%dma_start3A_58 : memref<40960xf32, #tpu.memory_space<vmem_shared>>) offsets(%arg8 : memref<512xi32, #tpu.memory_space<vmem>>) semaphore(%run_scoped3A : memref<!tpu.dma_semaphore, #tpu.memory_space<semaphore_mem>>) {add = true}
        %dma_wait3A = arith.constant 0 : i32
        %dma_wait3A_59 = tpu.memref_slice %arg5[%dma_wait3A] : memref<40960xf32, #tpu.memory_space<vmem_shared>> -> memref<40960xf32, #tpu.memory_space<vmem_shared>>
        tpu.wait_indirect_dma semaphore(%run_scoped3A : memref<!tpu.dma_semaphore, #tpu.memory_space<semaphore_mem>>) src(%arg9 : memref<512xf32, #tpu.memory_space<vmem>>) dst(%dma_wait3A_59 : memref<40960xf32, #tpu.memory_space<vmem_shared>>)
        tpu.yield
      }) : () -> ()
    }
    %scan3A_40 = arith.constant 20 : i32
    %barrier3A_41 = arith.constant 0 : index
    tpu.barrier barrier_id(%barrier3A_41)
    %mul3A_42 = arith.constant 2560 : i32
    %mul3A_43 = arith.muli %arg1, %mul3A_42 : i32
    %mul3A_44 = arith.constant 2560 : i32
    %mul3A_45 = arith.muli %arg1, %mul3A_44 : i32
    "tpu.region"() ({
      %run_scoped3A = tpu.sem_alloc : memref<!tpu.dma_semaphore, #tpu.memory_space<semaphore_mem>>
      %dma_start3A = tpu.memref_slice %arg4[%arg0, %mul3A_45] : memref<2x40960xf32, #tpu.memory_space<hbm>> -> memref<1x2560xf32, #tpu.memory_space<hbm>>
      %dma_start3A_46 = tpu.memref_squeeze %dma_start3A : memref<1x2560xf32, #tpu.memory_space<hbm>> -> memref<2560xf32, #tpu.memory_space<hbm>>
      %dma_start3A_47 = tpu.memref_slice %arg5[%mul3A_43] : memref<40960xf32, #tpu.memory_space<vmem_shared>> -> memref<2560xf32, #tpu.memory_space<vmem_shared>>
      tpu.enqueue_dma source(%dma_start3A_47 : memref<2560xf32, #tpu.memory_space<vmem_shared>>) target(%dma_start3A_46 : memref<2560xf32, #tpu.memory_space<hbm>>) target_semaphore(%run_scoped3A : memref<!tpu.dma_semaphore, #tpu.memory_space<semaphore_mem>>)
      %dma_wait3A = tpu.memref_slice %arg4[%arg0, %mul3A_45] : memref<2x40960xf32, #tpu.memory_space<hbm>> -> memref<1x2560xf32, #tpu.memory_space<hbm>>
      %dma_wait3A_48 = tpu.memref_squeeze %dma_wait3A : memref<1x2560xf32, #tpu.memory_space<hbm>> -> memref<2560xf32, #tpu.memory_space<hbm>>
      %dma_wait3A_49 = tpu.memref_slice %arg5[%mul3A_43] : memref<40960xf32, #tpu.memory_space<vmem_shared>> -> memref<2560xf32, #tpu.memory_space<vmem_shared>>
      tpu.wait_dma2 semaphore(%run_scoped3A : memref<!tpu.dma_semaphore, #tpu.memory_space<semaphore_mem>>) src(%dma_wait3A_49 : memref<2560xf32, #tpu.memory_space<vmem_shared>>) dst(%dma_wait3A_48 : memref<2560xf32, #tpu.memory_space<hbm>>)
      tpu.yield
    }) : () -> ()
    return
  }
}

</mosaic_0001>

<sc_bundles>
// kernel: _deg_pass.3.cloned.1.call-start
scs
__scs_entry_jumppad:
0x0: {  	(pc) =	sbr.rel $0x88, $3  }
0x1: {  	(tag) =	ssettag $0x0;
	lr =	simm.s32 $0x1  }
0x2: {  	[smem:$0x3F9F] =	sst lr;
	_ =	strace $0xD0000000  }
0x3: {  	_ = 	snop  }
0x4: {  	_ = 	snop  }
0x5: {  	_ = 	snop  }
0x6: {  	_ = 	snop  }
0x7: {  	_ = 	snop  }
__scs_overlays_trampoline_lowered:
0x8: {  	[smem:$0x3FAE] =	sst s0  }
0x9: {  	[smem:$0x3FAF] =	sst s1  }
0xa: {  	[smem:$0x3FB0] =	sst s2  }
0xb: {  	[smem:$0x3FB1] =	sst s3  }
0xc: {  	[smem:$0x3FB2] =	sst s4  }
0xd: {  	[smem:$0x3FB3] =	sst s5  }
0xe: {  	[smem:$0x3FB4] =	sst s6  }
0xf: {  	[smem:$0x3FB5] =	sst s7  }
0x10: {  	[smem:$0x3FB6] =	sst s8  }
0x11: {  	[smem:$0x3FB7] =	sst s9;
	s0 =	simm.s32 @!p0 $0x0  }
0x12: {  	s1 =	sld [smem:$0x3F9D];
	s0 =	simm.s32 @p0 $0x1  }
0x13: {  	[smem:$0x3FB8] =	sst s0;
	s0 =	simm.s32 @!p1 $0x0  }
0x14: {  	s2 =	sld [smem:$0x3F9C];
	s0 =	simm.s32 @p1 $0x1  }
0x15: {  	[smem:$0x3FB9] =	sst s0;
	s0 =	simm.s32 @!p2 $0x0  }
0x16: {  	s3 =	sld [smem:$0x3FDB];
	s0 =	simm.s32 @p2 $0x1  }
0x17: {  	s4 =	simm.s32 $0x1BF5;
	[smem:$0x3FBB] =	sst s0  }
0x18: {  	s0 =	sld [smem:$0x3F9E];
	_ =	swait.ge [sflag:s4], $0x0  }
0x19: {  	s7 =	sld [smem:$0x3F9F]  }
0x1a: {  	s8 =	sadd.s32 $0xFFFFE003, lr  }
0x1b: {  	s9 =	sadd.s32 $0xFFFFFEF7, lr;
	s5 =	simm.s32 $0xFFFFFFFF;
	p2 =	slt.u32 s8, $0xFFFFF086  }
0x1c: {  	p1 =	slt.u32 s9, $0xF7A;
	s5 =	simm.s32 @!p2 $0x0  }
0x1d: {  	s5 =	simm.s32 @p1 $0x1;
	p0 =	seq.s32 s7, s2  }
0x1e: {  	s7 =	smul.u32 @!p0 $0xF7A, s2;
	p2 =	seq.s32 @!p0 s5, $0x0  }
0x1f: {  	s9 =	smul.u32 $0xF7A, s1;
	s8 =	simm.s32 @!p0 $0x1BF5;
	p2 =	por !p2, p0  }
0x20: {  	[sflag:s8] =	ssyncset.s32 @!p0 $0xFFFFF086;
	s6 =	sadd.s32 @!p0 s3, s7;
	s7 =	simm.s32 @!p0 $0x108  }
0x21: {  	s3 =	sadd.s32 s3, s9;
	s6 =	sadd.s32 @!p0 $0x88, s6;
	s7 =	simm.s32 @p2 $0x1082  }
0x22: {  	[simem:s7], [sflag:s8] =	dma.local @!p0 [hbm:s6], $0xF7A  }
0x23: {  	s9 =	sor.u32 $0xD0000000, s2;
	s6 =	simm.s32 $0x108;
	_ =	swait.ge @!p0 [sflag:s8], $0x0  }
0x24: {  	s3 =	sadd.s32 $0x88, s3;
	s6 =	simm.s32 @!p1 $0x1082;
	[sflag:s4] =	ssyncset.s32 $0xFFFFF086  }
0x25: {  	[simem:s6], [sflag:s4] =	dma.local [hbm:s3], $0xF7A  }
0x26: {  	[smem:$0x3F9F] =	sst s1;
	(tag) =	ssettag s2;
	_ =	strace s9  }
0x27: {  	s1 =	sld [smem:$0x3FAF]  }
0x28: {  	s2 =	sld [smem:$0x3FB0]  }
0x29: {  	s4 =	sld [smem:$0x3FB2]  }
0x2a: {  	p0 =	seq.s32 s5, $0x0;
	s5 =	sld [smem:$0x3FB3]  }
0x2b: {  	s6 =	sld [smem:$0x3FB4]  }
0x2c: {  	s7 =	sld [smem:$0x3FB5]  }
0x2d: {  	s3 =	simm.s32 $0x108;
	s8 =	sld [smem:$0x3FB6]  }
0x2e: {  	s3 =	simm.s32 @!p0 $0x1082;
	s9 =	sld [smem:$0x3FB7]  }
0x2f: {  	lr =	sadd.s32 s0, s3;
	s0 =	sld [smem:$0x3FAE]  }
0x30: {  	s3 =	sld [smem:$0x3FB1]  }
0x31: {  	[smem:$0x3FBA] =	sst s10  }
0x32: {  	s10 =	sld [smem:$0x3FB8];
	_ =	sdelay $0x3  }
0x33: {  	p0 =	seq.s32 s10, $0x1;
	s10 =	sld [smem:$0x3FBA];
	_ =	sdelay $0x3  }
0x34: {  	[smem:$0x3FBA] =	sst s10  }
0x35: {  	s10 =	sld [smem:$0x3FB9];
	_ =	sdelay $0x3  }
0x36: {  	p1 =	seq.s32 s10, $0x1;
	s10 =	sld [smem:$0x3FBA];
	_ =	sdelay $0x3  }
0x37: {  	[smem:$0x3FBA] =	sst s10  }
0x38: {  	s10 =	sld [smem:$0x3FBB]  }
0x39: {  	_ = 	snop;
	(pc) =	sbr.ind lr, $3  }
0x3a: {  	_ = 	snop  }
0x3b: {  	_ = 	snop  }
0x3c: {  	p2 =	seq.s32 s10, $0x1;
	s10 =	sld [smem:$0x3FBA]  }
0x3d: {  	_ =	shalt  }
0x3e: {  	_ =	shalt  }
0x3f: {  	_ =	shalt  }
0x40: {  	_ =	shalt  }
0x41: {  	_ =	shalt  }
0x42: {  	_ =	shalt  }
0x43: {  	_ =	shalt  }
0x44: {  	_ =	shalt  }
0x45: {  	_ =	shalt  }
0x46: {  	_ =	shalt  }
0x47: {  	_ =	shalt  }
0x48: {  	_ =	shalt  }
0x49: {  	_ =	shalt  }
0x4a: {  	_ =	shalt  }
0x4b: {  	_ =	shalt  }
0x4c: {  	_ =	shalt  }
0x4d: {  	_ =	shalt  }
0x4e: {  	_ =	shalt  }
0x4f: {  	_ =	shalt  }
0x50: {  	_ =	shalt  }
0x51: {  	_ =	shalt  }
0x52: {  	_ =	shalt  }
0x53: {  	_ =	shalt  }
0x54: {  	_ =	shalt  }
0x55: {  	_ =	shalt  }
0x56: {  	_ =	shalt  }
0x57: {  	_ =	shalt  }
0x58: {  	_ =	shalt  }
0x59: {  	_ =	shalt  }
0x5a: {  	_ =	shalt  }
0x5b: {  	_ =	shalt  }
0x5c: {  	_ =	shalt  }
0x5d: {  	_ =	shalt  }
0x5e: {  	_ =	shalt  }
0x5f: {  	_ =	shalt  }
0x60: {  	_ =	shalt  }
0x61: {  	_ =	shalt  }
0x62: {  	_ =	shalt  }
0x63: {  	_ =	shalt  }
0x64: {  	_ =	shalt  }
0x65: {  	_ =	shalt  }
0x66: {  	_ =	shalt  }
0x67: {  	_ =	shalt  }
0x68: {  	_ =	shalt  }
0x69: {  	_ =	shalt  }
0x6a: {  	_ =	shalt  }
0x6b: {  	_ =	shalt  }
0x6c: {  	_ =	shalt  }
0x6d: {  	_ =	shalt  }
0x6e: {  	_ =	shalt  }
0x6f: {  	_ =	shalt  }
0x70: {  	_ =	shalt  }
0x71: {  	_ =	shalt  }
0x72: {  	_ =	shalt  }
0x73: {  	_ =	shalt  }
0x74: {  	_ =	shalt  }
0x75: {  	_ =	shalt  }
0x76: {  	_ =	shalt  }
0x77: {  	_ =	shalt  }
0x78: {  	_ =	shalt  }
0x79: {  	_ =	shalt  }
0x7a: {  	_ =	shalt  }
0x7b: {  	_ =	shalt  }
0x7c: {  	_ =	shalt  }
0x7d: {  	_ =	shalt  }
0x7e: {  	_ =	shalt  }
0x7f: {  	_ =	shalt  }
0x80: {  	_ =	shalt  }
0x81: {  	_ =	shalt  }
0x82: {  	_ =	shalt  }
0x83: {  	_ =	shalt  }
0x84: {  	_ =	shalt  }
0x85: {  	_ =	shalt  }
0x86: {  	_ =	shalt  }
0x87: {  	_ =	shalt  }
.Lfunc_end0:
.L_simem_size_0:
called_computation_lowered:
.L_overlay_start_0:
0x88: {  	s2 =	sld [smem:$0x3FD9]  }
0x89: {  	s3 =	sld [smem:$0x3FFE];
	_ =	sdelay $0x1  }
0x8a: {  	s1 =	srdreg.scid  }
0x8b: {  	s0 =	sand.u32 $0x1, s1  }
0x8c: {  	s17 =	sshll.u32 s0, $0xA;
	s2 =	sadd.s32 s3, s2  }
0x8d: {  	s2 =	sadd.s32 s2, s17  }
0x8e: {  	[smem:$0x3FC6] =	sst s2  }
0x8f: {  	_ = 	snop  }
0x90: {  	s2 =	sld [smem:$0x3FC9]  }
0x91: {  	s18 =	sld [smem:$0x3FC8];
	(tm) =	ssettm $0x1  }
0x92: {  	s4 =	sld [smem:$0x3FFB];
	_ =	sdelay $0x3  }
0x93: {  	_ =	strace s4  }
0x94: {  	s4 =	sld [smem:$0x3FFC];
	_ =	sdelay $0x3  }
0x95: {  	_ =	strace s4  }
0x96: {  	s4 =	sld [smem:$0x3FFD];
	_ =	sdelay $0x3  }
0x97: {  	_ =	strace s4  }
0x98: {  	_ =	strace $0x8FFFFFFF  }
0x99: {  	s19 =	sld [smem:$0x3FDB];
	_ =	sdelay $0x1  }
0x9a: {  	s5 =	simm.s32 $_scs_section_size  }
0x9b: {  	s6 =	simm.s32 $_size__tile_overlayer_lowered;
	s7 =	simm.s32 $_tile_overlayer_lowered  }
0x9c: {  	s22 =	simm.s32 $0x1BFF;
	s21 =	sshll.u32 s7, $0x1;
	s4 =	sadd.s32 s5, s19  }
0x9d: {  	s8 =	simm.s32 $0x0;
	s20 =	sshll.u32 s6, $0x1;
	s6 =	sadd.s32 s21, s4  }
0x9e: {  	[timem:s8], [sflag:s22] =	dma.local [hbm:s6], s20  }
0x9f: {  	_ =	swait.ge [sflag:s22], s20  }
0xa0: {  	s5 =	ssub.s32 $0x0, s20;
	[sflag:s22] =	ssyncset.done $0x0  }
0xa1: {  	[sflag:s22] =	ssyncadd.s32 s5;
	_ =	sdelay $0x1  }
0xa2: {  	s23 =	simm.s32 $0x1B8B  }
0xa3: {  	_ =	swait.ge [sflag:s23], $0x1  }
0xa4: {  	[sflag:s23] =	ssyncset.done $0x0  }
0xa5: {  	s25 =	simm.s32 $0x1B8E;
	s24 =	sld [smem:$0x3FFE];
	[sflag:s23] =	ssyncadd.s32 $0xFFFFFFFF  }
0xa6: {  	s26 =	simm.s32 $execute0_lowered;
	[smem:$0x3FD2] =	sst s25  }
0xa7: {  	s6 =	sshll.u32 s26, $0x1;
	_ =	strace $0x80000046;
	[dreg:$0x1] =	wrdreg $0xFFFFFFFF  }
0xa8: {  	s28 =	simm.s32 $_size_execute0_lowered;
	s4 =	sadd.s32 s4, s6;
	[dreg:$0x0] =	wrdreg $0x0  }
0xa9: {  	s6 =	sshll.u32 s28, $0x1;
	[dreg:$0x2] =	wrdreg s4  }
0xaa: {  	[dreg:$0x3] =	wrdreg s6  }
0xab: {  	[dreg:$0x4] =	wrdreg $0xC0  }
0xac: {  	_ =	task [dreg:s8], $0x5FFFF  }
0xad: {  	[dreg:$0x1] =	wrdreg $0xFFFFFFFF  }
0xae: {  	[dreg:$0x0] =	wrdreg $0x60  }
0xaf: {  	[dreg:$0x2] =	wrdreg s2  }
0xb0: {  	[dreg:$0x3] =	wrdreg s18  }
0xb1: {  	[dreg:$0x4] =	wrdreg s24  }
0xb2: {  	[dreg:$0x5] =	wrdreg $0x0  }
0xb3: {  	[dreg:$0x6] =	wrdreg $0x9  }
0xb4: {  	_ =	task.clear_ibuf [dreg:s8], $0x7FFFF;
	_ =	strace $0x90000046  }
0xb5: {  	s29 =	simm.s32 $0x9;
	_ =	strace $0x80000048  }
0xb6: {  	_ =	swait.ge [sflag:s29], $0x1  }
0xb7: {  	[sflag:s29] =	ssyncadd.s32 $0xFFFFFFFF  }
0xb8: {  	_ =	strace $0x90000048  }
0xb9: {  	_ =	sfence  }
0xba: {  	s30 =	sld [smem:$0x0];
	_ =	sdelay $0x2  }
0xbb: {  	s31 =	sshll.u32 s1, $0xD;
	s1 =	sshrl.u32 s1, $0x2  }
0xbc: {  	s3 =	sand.u32 $0x4000, s31;
	s1 =	sadd.s32 s1, s30  }
0xbd: {  	s0 =	sor.u32 s3, s0;
	s1 =	sshll.u32 s1, $0x11  }
0xbe: {  	s0 =	sor.u32 s1, s0  }
0xbf: {  	s0 =	sadd.s32 $0x8F2B, s0  }
0xc0: {  	[sflag:s0] =	ssyncadd.remote.s32 $0x1  }
0xc1: {  	_ =	sfence.sel $0xFFFF  }
0xc2: {  	[dreg:$0x0] =	wrdreg $0xFFFFFFFF;
	(pc) =	sbr.abs _section_cstart, $3  }
0xc3: {  	[dreg:$0x1] =	wrdreg $0xFFFFFFFF  }
0xc4: {  	_ =	task.clear_ibuf [dreg:s8], $0x2FFFF;
	_ =	strace $0x9FFFFFFF  }
0xc5: {  	(tm) =	ssettm $0x7FFFFFFF  }
tec
execute0_lowered:
.L_overlay_start_1:
0x0: {  	(tag) =	ssettag $0x1  }
0x1: {  	s1 =	rddreg [dreg:$0x0]  }
0x2: {  	s2 =	rddreg [dreg:$0x1]  }
0x3: {  	s3 =	srdreg.scid;
	s6 =	rddreg [dreg:$0x2]  }
0x4: {  	s0 =	stileid.u32;
	s4 =	rddreg [dreg:$0x3]  }
0x5: {  	s5 =	simm.s32 $0x0;
	s14 =	simm.s32 $0x1000;
	s15 =	simm.s32 $0x1  }
0x6: {  	s16 =	simm.s32 $0xA00;
	s17 =	simm.s32 $0xC00;
	s18 =	simm.s32 $0x200  }
0x7: {  	s19 =	simm.s32 $0xE00;
	s22 =	simm.s32 $0x20;
	s23 =	simm.s32 $0x10  }
0x8: {  	s7 =	sand.u32 $0x1, s3;
	s8 =	smul.u32 $0x1400, s0;
	s3 =	rddreg [dreg:$0x4]  }
0x9: {  	[smem:$0x7FF] =	sst s5;
	s29 =	smul.u32 $0x2800, s0;
	s20 =	sshll.u32 s0, $0x6  }
0xa: {  	s9 =	sshll.u32 s7, $0x7;
	_ =	strace $0x80000047;
	s30 =	ssub.s32 $0x2, s7  }
0xb: {  	s7 =	sshll.u32 s7, $0x4;
	s20 =	sor.u32 $0x1C01, s20;
	s8 =	sor.u32 s9, s8  }
0xc: {  	s31 =	sshrl.u32 s30, $0x1;
	s9 =	sshrl.u32 s29, $0x2;
	s11 =	sor.u32 s0, s7  }
0xd: {  	s8 =	sshrl.u32 s8, $0x3;
	s13 =	ssub.s32 s30, s31;
	s11 =	smul.u32 $0x2800, s11  }
0xe: {  	s12 =	sadd.s32 s8, s6;
	s6 =	sadd.s32 s9, s4;
	s13 =	smax.u32 s13, $0x1  }
0xf: {  	s7 =	sadd.s32 $0x200, s6;
	s8 =	sadd.s32 $0x400, s6;
	s9 =	sadd.s32 $0x600, s6  }
0x10: {  	v0 =	vimm.f32 $0.0e+00;
	v1 =	vimm.f32 $1.000000000e+00;
	s10 =	sadd.s32 $0x800, s6;
	s12 =	sadd.s32 $0x400, s12;
	s21 =	sshrl.u32 s6, $0x3  }
.LBB2_1:
0x11: {  	[tilespmem:$0x1000] =	vst v0  }
0x12: {  	[tilespmem:$0x1010] =	vst v0  }
0x13: {  	[tilespmem:$0x1020] =	vst v0  }
0x14: {  	[tilespmem:$0x1030] =	vst v0  }
0x15: {  	[tilespmem:$0x1040] =	vst v0  }
0x16: {  	[tilespmem:$0x1050] =	vst v0  }
0x17: {  	[tilespmem:$0x1060] =	vst v0  }
0x18: {  	[tilespmem:$0x1070] =	vst v0  }
0x19: {  	[tilespmem:$0x1080] =	vst v0  }
0x1a: {  	[tilespmem:$0x1090] =	vst v0  }
0x1b: {  	[tilespmem:$0x10A0] =	vst v0  }
0x1c: {  	[tilespmem:$0x10B0] =	vst v0  }
0x1d: {  	[tilespmem:$0x10C0] =	vst v0  }
0x1e: {  	[tilespmem:$0x10D0] =	vst v0  }
0x1f: {  	[tilespmem:$0x10E0] =	vst v0  }
0x20: {  	[tilespmem:$0x10F0] =	vst v0  }
0x21: {  	[tilespmem:$0x1100] =	vst v0  }
0x22: {  	[tilespmem:$0x1110] =	vst v0  }
0x23: {  	[tilespmem:$0x1120] =	vst v0  }
0x24: {  	[tilespmem:$0x1130] =	vst v0  }
0x25: {  	[tilespmem:$0x1140] =	vst v0  }
0x26: {  	[tilespmem:$0x1150] =	vst v0  }
0x27: {  	[tilespmem:$0x1160] =	vst v0  }
0x28: {  	[tilespmem:$0x1170] =	vst v0  }
0x29: {  	[tilespmem:$0x1180] =	vst v0  }
0x2a: {  	[tilespmem:$0x1190] =	vst v0  }
0x2b: {  	[tilespmem:$0x11A0] =	vst v0  }
0x2c: {  	[tilespmem:$0x11B0] =	vst v0  }
0x2d: {  	[tilespmem:$0x11C0] =	vst v0  }
0x2e: {  	[tilespmem:$0x11D0] =	vst v0  }
0x2f: {  	[tilespmem:$0x11E0] =	vst v0  }
0x30: {  	[tilespmem:$0x11F0] =	vst v0  }
0x31: {  	[spmem:s6] =	stream.linear.scatter [tilespmem:s14], [sflag:$0x1], $0x200, $0x38;
	[tilespmem:$0x1200] =	vst v63  }
0x32: {  	_ =	swait.ge [sflag:s15], $0x200  }
0x33: {  	[sflag:s15] =	ssyncset.done $0x0  }
0x34: {  	[sflag:s15] =	ssyncadd.s32 $0xFFFFFE00  }
0x35: {  	[spmem:s7] =	stream.linear.scatter [tilespmem:s14], [sflag:$0x1], $0x200, $0x38;
	[tilespmem:$0x1200] =	vst v63  }
0x36: {  	_ =	swait.ge [sflag:s15], $0x200  }
0x37: {  	[sflag:s15] =	ssyncset.done $0x0  }
0x38: {  	[sflag:s15] =	ssyncadd.s32 $0xFFFFFE00  }
0x39: {  	[spmem:s8] =	stream.linear.scatter [tilespmem:s14], [sflag:$0x1], $0x200, $0x38;
	[tilespmem:$0x1200] =	vst v63  }
0x3a: {  	_ =	swait.ge [sflag:s15], $0x200  }
0x3b: {  	[sflag:s15] =	ssyncset.done $0x0  }
0x3c: {  	[sflag:s15] =	ssyncadd.s32 $0xFFFFFE00  }
0x3d: {  	[spmem:s9] =	stream.linear.scatter [tilespmem:s14], [sflag:$0x1], $0x200, $0x38;
	[tilespmem:$0x1200] =	vst v63  }
0x3e: {  	_ =	swait.ge [sflag:s15], $0x200  }
0x3f: {  	[sflag:s15] =	ssyncset.done $0x0  }
0x40: {  	[sflag:s15] =	ssyncadd.s32 $0xFFFFFE00  }
0x41: {  	[spmem:s10] =	stream.linear.scatter [tilespmem:s14], [sflag:$0x1], $0x200, $0x38;
	[tilespmem:$0x1200] =	vst v63  }
0x42: {  	_ =	swait.ge [sflag:s15], $0x200  }
0x43: {  	[sflag:s15] =	ssyncset.done $0x0  }
0x44: {  	[sflag:s15] =	ssyncadd.s32 $0xFFFFFE00  }
0x45: {  	[bflag:$0x0] =	sbarrier.arrive $0xFFFF  }
0x46: {  	[tilespmem:$0x1000] =	vst v1  }
0x47: {  	[tilespmem:$0x1010] =	vst v1  }
0x48: {  	[tilespmem:$0x1020] =	vst v1  }
0x49: {  	[tilespmem:$0x1030] =	vst v1  }
0x4a: {  	[tilespmem:$0x1040] =	vst v1  }
0x4b: {  	[tilespmem:$0x1050] =	vst v1  }
0x4c: {  	[tilespmem:$0x1060] =	vst v1  }
0x4d: {  	[tilespmem:$0x1070] =	vst v1  }
0x4e: {  	[tilespmem:$0x1080] =	vst v1  }
0x4f: {  	[tilespmem:$0x1090] =	vst v1  }
0x50: {  	[tilespmem:$0x10A0] =	vst v1  }
0x51: {  	[tilespmem:$0x10B0] =	vst v1  }
0x52: {  	[tilespmem:$0x10C0] =	vst v1  }
0x53: {  	[tilespmem:$0x10D0] =	vst v1  }
0x54: {  	[tilespmem:$0x10E0] =	vst v1  }
0x55: {  	[tilespmem:$0x10F0] =	vst v1  }
0x56: {  	[tilespmem:$0x1100] =	vst v1  }
0x57: {  	[tilespmem:$0x1110] =	vst v1  }
0x58: {  	[tilespmem:$0x1120] =	vst v1  }
0x59: {  	[tilespmem:$0x1130] =	vst v1  }
0x5a: {  	[tilespmem:$0x1140] =	vst v1  }
0x5b: {  	[tilespmem:$0x1150] =	vst v1  }
0x5c: {  	[tilespmem:$0x1160] =	vst v1  }
0x5d: {  	[tilespmem:$0x1170] =	vst v1  }
0x5e: {  	[tilespmem:$0x1180] =	vst v1  }
0x5f: {  	[tilespmem:$0x1190] =	vst v1  }
0x60: {  	[tilespmem:$0x11A0] =	vst v1  }
0x61: {  	[tilespmem:$0x11B0] =	vst v1  }
0x62: {  	[tilespmem:$0x11C0] =	vst v1  }
0x63: {  	[tilespmem:$0x11D0] =	vst v1  }
0x64: {  	[tilespmem:$0x11E0] =	vst v1  }
0x65: {  	s24 =	simm.s32 $0x0;
	[tilespmem:$0x11F0] =	vst v1  }
.LBB2_2:
0x66: {  	s25 =	sshll.u32 s24, $0x9  }
0x67: {  	s25 =	sadd.s32 s11, s25  }
0x68: {  	s25 =	sshrl.u32 s25, $0x3  }
0x69: {  	s28 =	simm.s32 $0x0;
	s26 =	sadd.s32 s1, s25  }
0x6a: {  	[tilespmem:s16], [sflag:$0x1] =	stream.linear.gather [hbm4b:s26+s28], $0x200, $0x38;
	[tilespmem:$0x1200] =	vst v63  }
0x6b: {  	_ =	swait.ge [sflag:s15], $0x200  }
0x6c: {  	[sflag:s15] =	ssyncset.done $0x0  }
0x6d: {  	s25 =	sadd.s32 s2, s25;
	[sflag:s15] =	ssyncadd.s32 $0xFFFFFE00  }
0x6e: {  	[tilespmem:s17], [sflag:$0x1] =	stream.linear.gather [hbm4b:s25+s28], $0x200, $0x38;
	[tilespmem:$0x1200] =	vst v63  }
0x6f: {  	_ =	swait.ge [sflag:s15], $0x200  }
0x70: {  	[sflag:s15] =	ssyncset.done $0x0  }
0x71: {  	s25 =	simm.s32 $0x0;
	[sflag:s15] =	ssyncadd.s32 $0xFFFFFE00  }
0x72: {  	v2 =	vld [tilespmem:s25+$0xC00]  }
0x73: {  	s26 =	simm.s32 $0x40;
	v3 =	vld [tilespmem:s25+$0xA00]  }
.LBB2_3:
0x74: {  	_ = 	snop  }
0x75: {  	p0 =	sne.s32 s26, $0x7C0  }
.Ltmp0:
0x76: {  	_ = 	snop;
	(pc) =	sbr.rel @p0 .LBB2_3-.Ltmp0, $4  }
0x77: {  	v4 =	vmul.u32 $0x2710, v2  }
0x78: {  	s28 =	sshra.s32 s26, $0x2  }
0x79: {  	v2 =	vld [tilespmem:s28+$0xC00];
	v4 =	vadd.s32 v3, v4  }
0x7a: {  	s26 =	sadd.s32 $0x40, s26;
	v3 =	vld [tilespmem:s28+$0xA00];
	[tilespmem:s25+$0xE00] =	vst v4;
	s25 =	smov.u32 s28  }
0x7b: {  	_ =	sdelay $0x2  }
0x7c: {  	v2 =	vmul.u32 $0x2710, v2  }
0x7d: {  	s24 =	sadd.s32 $0x1, s24  }
0x7e: {  	p0 =	sne.s32 s24, $0x14;
	v2 =	vadd.s32 v3, v2  }
.Ltmp1:
0x7f: {  	[tilespmem:s25+$0xE00] =	vst v2;
	(pc) =	sbr.rel @p0 .LBB2_2-.Ltmp1, $4  }
0x80: {  	[spmem:s4] =	stream.indirect.scatter.add.f32 [tilespmem:s14], [sflag:$0x1], $0x1, s19, s18, $0xb8;
	[tilespmem:$0x1200] =	vst v63  }
0x81: {  	_ =	swait.ge [sflag:s15], $0x200  }
0x82: {  	[sflag:s15] =	ssyncset.done $0x0  }
0x83: {  	[sflag:s15] =	ssyncadd.s32 $0xFFFFFE00  }
0x84: {  	s5 =	sadd.s32 $0x1, s5  }
0x85: {  	p0 =	sne.s32 s5, s13  }
.Ltmp2:
0x86: {  	[bflag:$0x0] =	sbarrier.arrive $0xFFFF;
	(pc) =	sbr.rel @p0 .LBB2_1-.Ltmp2, $4  }
0x87: {  	[hbm:s12@s22], [sflag:s20] =	dma.strided [spmem:s21@s23], $0x140, s15, $0x10   }
0x88: {  	_ =	swait.ge [sflag:s15], $0x140  }
0x89: {  	[sflag:s15] =	ssyncset.done $0x0  }
0x8a: {  	[sflag:s15] =	ssyncadd.s32 $0xFFFFFEC0  }
0x8b: {  	_ =	sfence.sel $0x180000  }
0x8c: {  	[bflag:$0x0] =	sbarrier.arrive $0xFFFF  }
0x8d: {  	p0 =	sne.s32 s0, $0x0;
	_ =	strace $0x90000047  }
0x8e: {  	s0 =	sadd.s32 @!p0 $0x100000, s3;
	[bflag:$0x2] =	sbarrier.arrive $0xFFFF  }
0x8f: {  	[sflag:s0] =	ssyncadd.tile.s32 @!p0 $0x1;
	_ =	shalt  }
.Lfunc_end2:
_tile_overlayer_lowered:
.L_overlay_start_2:
0x90: {  	(tag) =	ssettag $0x2  }
0x91: {  	s0 =	rddreg [dreg:$0x0];
	s2 =	stileid.u32  }
0x92: {  	s1 =	rddreg [dreg:$0x1];
	p0 =	sne.s32 s2, $0x0  }
0x93: {  	s3 =	rddreg [dreg:$0x2];
	[bflag:$0x3] =	sbarrier.arrive $0xFFFF;
	s2 =	simm.s32 @!p0 $0x1C01  }
0x94: {  	[timem:s3], [sflag:s2] =	dma.local @!p0 [hbm:s0], s1  }
0x95: {  	s0 =	simm.s32 @!p0 $0x1  }
0x96: {  	_ =	swait.ge @!p0 [sflag:s0], s1  }
0x97: {  	s1 =	ssub.s32 @!p0 $0x0, s1;
	[sflag:s0] =	ssyncset.done @!p0 $0x0  }
0x98: {  	[sflag:s0] =	ssyncadd.s32 @!p0 s1  }
0x99: {  	[bflag:$0x3] =	sbarrier.arrive $0xFFFF  }
0x9a: {  	_ =	shalt  }

</sc_bundles>
